<compile_context>
chip_gen: v7x
topology: tpu7x:2x2x1
jax: 0.10.2.dev20260603
libtpu: 0.0.44.dev20260713+nightly
codegen_flags: <defaults>
</compile_context>

<pallas_src>
import functools

import jax
import jax.numpy as jnp
from jax import lax
from jax.experimental import pallas as pl
from jax.experimental.pallas import tpu as pltpu
from jax.experimental.pallas import tpu_sc as plsc

_LANE = 128
_K = 2


@functools.lru_cache(maxsize=None)
def _make_gather(V, D, B):
    info = plsc.get_sparse_core_info()
    NC, NS = info.num_cores, info.num_subcores
    NW = NC * NS
    assert B % (NW * _LANE) == 0
    steps = B // (NW * _LANE)
    T = steps // _K
    assert steps % _K == 0 and T % 2 == 0 and T >= 4

    mesh = plsc.VectorSubcoreMesh(core_axis_name="c", subcore_axis_name="s")

    @functools.partial(
        pl.kernel,
        out_type=jax.ShapeDtypeStruct((B, D), jnp.float32),
        mesh=mesh,
        scratch_types=[
            pltpu.VMEM((steps, _LANE), jnp.int32),
            pltpu.VMEM((2, _K * _LANE, D), jnp.float32),
            pltpu.SemaphoreType.DMA,
            pltpu.SemaphoreType.DMA,
            pltpu.SemaphoreType.DMA,
            pltpu.SemaphoreType.DMA,
        ],
    )
    def k(x_hbm, table_hbm, out_hbm, idx_v, rows_v, gsem0, gsem1, osem0, osem1):
        gsems = (gsem0, gsem1)
        osems = (osem0, osem1)
        wid = lax.axis_index("s") * NC + lax.axis_index("c")
        row0 = wid * steps

        pltpu.sync_copy(x_hbm.at[pl.ds(row0, steps)], idx_v)

        def issue_gathers(t, grp):
            for b in range(_K):
                pltpu.async_copy(
                    table_hbm.at[idx_v.at[t * _K + b]],
                    rows_v.at[grp].at[pl.ds(b * _LANE, _LANE)],
                    gsems[grp],
                )

        def wait_gathers(grp):
            for b in range(_K):
                pltpu.make_async_copy(
                    table_hbm.at[idx_v.at[0]],
                    rows_v.at[grp].at[pl.ds(b * _LANE, _LANE)],
                    gsems[grp],
                ).wait()

        def issue_out(t, grp):
            pltpu.async_copy(
                rows_v.at[grp],
                out_hbm.at[pl.ds((row0 + t * _K) * _LANE, _K * _LANE)],
                osems[grp],
            )

        def wait_out(grp):
            pltpu.make_async_copy(
                rows_v.at[grp], out_hbm.at[pl.ds(0, _K * _LANE)], osems[grp]
            ).wait()

        issue_gathers(0, 0)
        wait_gathers(0)
        issue_gathers(1, 1)
        issue_out(0, 0)

        def outer(t0):
            for i in range(2):
                t = t0 + i
                grp = (1 + i) % 2
                wait_gathers(grp)
                issue_out(t, grp)
                wait_out(1 - grp)
                issue_gathers(t + 1, 1 - grp)

        pl.loop(1, T - 1, step=2)(outer)

        wait_gathers(1)
        wait_out(0)
        issue_out(T - 1, 1)
        wait_out(1)

    return k


def kernel(x, table):
    B = x.size
    V, D = table.shape
    x2 = x.reshape(B // _LANE, _LANE)
    out = _make_gather(V, D, B)(x2, table)
    return out.reshape(x.shape + (D,))

# --- scband reference (transcript-rebuilt; emitter-appended) ---
"""Pipeline reference for scband-embeddings-82454782148665 (READ-ONLY COPY).

The authoritative reference and input builder live on the scoring server;
editing this copy changes nothing except your own understanding.
"""

import jax, jax.numpy as jnp
import numpy as np


def setup_inputs(seed: int = 0) -> dict:
    key = jax.random.key(seed)
    k1, k2 = jax.random.split(key)
    x = jax.random.randint(k1, (4096, 200), 0, 100000, dtype=jnp.int64 if jax.config.jax_enable_x64 else jnp.int32)
    table = jax.random.normal(k2, (100000, 128), dtype=jnp.float32)
    return {"x": x, "table": table}


def reference(x, table):
    # nn.Embedding forward: gather rows of the table by index
    return jnp.take(table, x, axis=0)

if __name__ == "__main__":
    import jax
    _d = setup_inputs()
    print(jax.jit(kernel)(*tuple(_d.values())))

</pallas_src>

<mosaic_0001>
#map = affine_map<(d0, d1) -> (0, 0)>
module attributes {stable_mosaic.version = 14 : i64} {
  func.func @k(%arg0: i32, %arg1: i32, %arg2: memref<6400x128xi32, #tpu.memory_space<hbm>>, %arg3: memref<100000x128xf32, #tpu.memory_space<hbm>>, %arg4: memref<819200x128xf32, #tpu.memory_space<hbm>>, %arg5: memref<200x128xi32, #tpu.memory_space<vmem>>, %arg6: memref<2x256x128xf32, #tpu.memory_space<vmem>>, %arg7: memref<!tpu.dma_semaphore, #tpu.memory_space<semaphore_mem>>, %arg8: memref<!tpu.dma_semaphore, #tpu.memory_space<semaphore_mem>>, %arg9: memref<!tpu.dma_semaphore, #tpu.memory_space<semaphore_mem>>, %arg10: memref<!tpu.dma_semaphore, #tpu.memory_space<semaphore_mem>>) attributes {dimension_semantics = [#tpu.dimension_semantics<core_parallel>, #tpu.dimension_semantics<subcore_parallel>], iteration_bounds = array<i64: 2, 16>, scalar_prefetch = 0 : i64, scratch_operands = 6 : i64, tpu.core_type = #tpu.core_type<sc_vector_subcore>, window_params = [{transform_indices = #map}, {transform_indices = #map}, {transform_indices = #map}]} {
    %mul3A = arith.constant 2 : i32
    %mul3A_0 = arith.muli %arg1, %mul3A : i32
    %add3A = arith.addi %mul3A_0, %arg0 : i32
    %mul3A_1 = arith.constant 200 : i32
    %mul3A_2 = arith.muli %add3A, %mul3A_1 : i32
    "tpu.region"() ({
      %run_scoped3A = tpu.sem_alloc : memref<!tpu.dma_semaphore, #tpu.memory_space<semaphore_mem>>
      %dma_start3A_189 = arith.constant 0 : i32
      %dma_start3A_190 = tpu.memref_slice %arg2[%mul3A_2, %dma_start3A_189] : memref<6400x128xi32, #tpu.memory_space<hbm>> -> memref<200x128xi32, #tpu.memory_space<hbm>>
      %dma_start3A_191 = arith.constant 0 : i32
      %dma_start3A_192 = tpu.memref_slice %arg2[%mul3A_2, %dma_start3A_191] : memref<6400x128xi32, #tpu.memory_space<hbm>> -> memref<200x128xi32, #tpu.memory_space<hbm>>
      tpu.enqueue_dma source(%dma_start3A_192 : memref<200x128xi32, #tpu.memory_space<hbm>>) target(%arg5 : memref<200x128xi32, #tpu.memory_space<vmem>>) target_semaphore(%run_scoped3A : memref<!tpu.dma_semaphore, #tpu.memory_space<semaphore_mem>>)
      %dma_wait3A_193 = arith.constant 0 : i32
      %dma_wait3A_194 = tpu.memref_slice %arg2[%mul3A_2, %dma_wait3A_193] : memref<6400x128xi32, #tpu.memory_space<hbm>> -> memref<200x128xi32, #tpu.memory_space<hbm>>
      %dma_wait3A_195 = arith.constant 0 : i32
      %dma_wait3A_196 = tpu.memref_slice %arg2[%mul3A_2, %dma_wait3A_195] : memref<6400x128xi32, #tpu.memory_space<hbm>> -> memref<200x128xi32, #tpu.memory_space<hbm>>
      tpu.wait_dma2 semaphore(%run_scoped3A : memref<!tpu.dma_semaphore, #tpu.memory_space<semaphore_mem>>) src(%dma_wait3A_196 : memref<200x128xi32, #tpu.memory_space<hbm>>) dst(%arg5 : memref<200x128xi32, #tpu.memory_space<vmem>>)
      tpu.yield
    }) : () -> ()
    %dma_start3A = arith.constant 0 : i32
    %dma_start3A_3 = arith.constant 0 : i32
    %dma_start3A_4 = arith.constant 0 : i32
    %dma_start3A_5 = arith.constant 0 : i32
    %dma_start3A_6 = tpu.memref_slice %arg6[%dma_start3A_3, %dma_start3A_4, %dma_start3A_5] : memref<2x256x128xf32, #tpu.memory_space<vmem>> -> memref<1x256x128xf32, #tpu.memory_space<vmem>>
    %dma_start3A_7 = tpu.memref_squeeze %dma_start3A_6 : memref<1x256x128xf32, #tpu.memory_space<vmem>> -> memref<256x128xf32, #tpu.memory_space<vmem>>
    %dma_start3A_8 = arith.constant 0 : i32
    %dma_start3A_9 = arith.constant 0 : i32
    %dma_start3A_10 = tpu.memref_slice %dma_start3A_7[%dma_start3A_8, %dma_start3A_9] : memref<256x128xf32, #tpu.memory_space<vmem>> -> memref<128x128xf32, #tpu.memory_space<vmem>>
    %dma_start3A_11 = arith.constant 0 : i32
    %dma_start3A_12 = tpu.memref_slice %arg5[%dma_start3A, %dma_start3A_11] : memref<200x128xi32, #tpu.memory_space<vmem>> -> memref<1x128xi32, #tpu.memory_space<vmem>>
    %dma_start3A_13 = tpu.memref_squeeze %dma_start3A_12 : memref<1x128xi32, #tpu.memory_space<vmem>> -> memref<128xi32, #tpu.memory_space<vmem>>
    %dma_start3A_14 = arith.constant 0 : i32
    %dma_start3A_15 = arith.constant 0 : i32
    %dma_start3A_16 = tpu.memref_slice %arg3[%dma_start3A_14, %dma_start3A_15] : memref<100000x128xf32, #tpu.memory_space<hbm>> -> memref<100000x128xf32, #tpu.memory_space<hbm>>
    tpu.enqueue_indirect_dma source(%dma_start3A_16 : memref<100000x128xf32, #tpu.memory_space<hbm>>) target(%dma_start3A_10 : memref<128x128xf32, #tpu.memory_space<vmem>>) offsets(%dma_start3A_13 : memref<128xi32, #tpu.memory_space<vmem>>) semaphore(%arg7 : memref<!tpu.dma_semaphore, #tpu.memory_space<semaphore_mem>>)
    %dma_start3A_17 = arith.constant 1 : i32
    %dma_start3A_18 = arith.constant 0 : i32
    %dma_start3A_19 = arith.constant 0 : i32
    %dma_start3A_20 = arith.constant 0 : i32
    %dma_start3A_21 = tpu.memref_slice %arg6[%dma_start3A_18, %dma_start3A_19, %dma_start3A_20] : memref<2x256x128xf32, #tpu.memory_space<vmem>> -> memref<1x256x128xf32, #tpu.memory_space<vmem>>
    %dma_start3A_22 = tpu.memref_squeeze %dma_start3A_21 : memref<1x256x128xf32, #tpu.memory_space<vmem>> -> memref<256x128xf32, #tpu.memory_space<vmem>>
    %dma_start3A_23 = arith.constant 128 : i32
    %dma_start3A_24 = arith.constant 0 : i32
    %dma_start3A_25 = tpu.memref_slice %dma_start3A_22[%dma_start3A_23, %dma_start3A_24] : memref<256x128xf32, #tpu.memory_space<vmem>> -> memref<128x128xf32, #tpu.memory_space<vmem>>
    %dma_start3A_26 = arith.constant 0 : i32
    %dma_start3A_27 = tpu.memref_slice %arg5[%dma_start3A_17, %dma_start3A_26] : memref<200x128xi32, #tpu.memory_space<vmem>> -> memref<1x128xi32, #tpu.memory_space<vmem>>
    %dma_start3A_28 = tpu.memref_squeeze %dma_start3A_27 : memref<1x128xi32, #tpu.memory_space<vmem>> -> memref<128xi32, #tpu.memory_space<vmem>>
    %dma_start3A_29 = arith.constant 0 : i32
    %dma_start3A_30 = arith.constant 0 : i32
    %dma_start3A_31 = tpu.memref_slice %arg3[%dma_start3A_29, %dma_start3A_30] : memref<100000x128xf32, #tpu.memory_space<hbm>> -> memref<100000x128xf32, #tpu.memory_space<hbm>>
    tpu.enqueue_indirect_dma source(%dma_start3A_31 : memref<100000x128xf32, #tpu.memory_space<hbm>>) target(%dma_start3A_25 : memref<128x128xf32, #tpu.memory_space<vmem>>) offsets(%dma_start3A_28 : memref<128xi32, #tpu.memory_space<vmem>>) semaphore(%arg7 : memref<!tpu.dma_semaphore, #tpu.memory_space<semaphore_mem>>)
    %dma_wait3A = arith.constant 0 : i32
    %dma_wait3A_32 = arith.constant 0 : i32
    %dma_wait3A_33 = arith.constant 0 : i32
    %dma_wait3A_34 = arith.constant 0 : i32
    %dma_wait3A_35 = tpu.memref_slice %arg6[%dma_wait3A_32, %dma_wait3A_33, %dma_wait3A_34] : memref<2x256x128xf32, #tpu.memory_space<vmem>> -> memref<1x256x128xf32, #tpu.memory_space<vmem>>
    %dma_wait3A_36 = tpu.memref_squeeze %dma_wait3A_35 : memref<1x256x128xf32, #tpu.memory_space<vmem>> -> memref<256x128xf32, #tpu.memory_space<vmem>>
    %dma_wait3A_37 = arith.constant 0 : i32
    %dma_wait3A_38 = arith.constant 0 : i32
    %dma_wait3A_39 = tpu.memref_slice %dma_wait3A_36[%dma_wait3A_37, %dma_wait3A_38] : memref<256x128xf32, #tpu.memory_space<vmem>> -> memref<128x128xf32, #tpu.memory_space<vmem>>
    %dma_wait3A_40 = arith.constant 0 : i32
    %dma_wait3A_41 = tpu.memref_slice %arg5[%dma_wait3A, %dma_wait3A_40] : memref<200x128xi32, #tpu.memory_space<vmem>> -> memref<1x128xi32, #tpu.memory_space<vmem>>
    %dma_wait3A_42 = tpu.memref_squeeze %dma_wait3A_41 : memref<1x128xi32, #tpu.memory_space<vmem>> -> memref<128xi32, #tpu.memory_space<vmem>>
    %dma_wait3A_43 = arith.constant 0 : i32
    %dma_wait3A_44 = arith.constant 0 : i32
    %dma_wait3A_45 = tpu.memref_slice %arg3[%dma_wait3A_43, %dma_wait3A_44] : memref<100000x128xf32, #tpu.memory_space<hbm>> -> memref<100000x128xf32, #tpu.memory_space<hbm>>
    tpu.wait_indirect_dma semaphore(%arg7 : memref<!tpu.dma_semaphore, #tpu.memory_space<semaphore_mem>>) src(%dma_wait3A_45 : memref<100000x128xf32, #tpu.memory_space<hbm>>) dst(%dma_wait3A_39 : memref<128x128xf32, #tpu.memory_space<vmem>>)
    %dma_wait3A_46 = arith.constant 0 : i32
    %dma_wait3A_47 = arith.constant 0 : i32
    %dma_wait3A_48 = arith.constant 0 : i32
    %dma_wait3A_49 = arith.constant 0 : i32
    %dma_wait3A_50 = tpu.memref_slice %arg6[%dma_wait3A_47, %dma_wait3A_48, %dma_wait3A_49] : memref<2x256x128xf32, #tpu.memory_space<vmem>> -> memref<1x256x128xf32, #tpu.memory_space<vmem>>
    %dma_wait3A_51 = tpu.memref_squeeze %dma_wait3A_50 : memref<1x256x128xf32, #tpu.memory_space<vmem>> -> memref<256x128xf32, #tpu.memory_space<vmem>>
    %dma_wait3A_52 = arith.constant 128 : i32
    %dma_wait3A_53 = arith.constant 0 : i32
    %dma_wait3A_54 = tpu.memref_slice %dma_wait3A_51[%dma_wait3A_52, %dma_wait3A_53] : memref<256x128xf32, #tpu.memory_space<vmem>> -> memref<128x128xf32, #tpu.memory_space<vmem>>
    %dma_wait3A_55 = arith.constant 0 : i32
    %dma_wait3A_56 = tpu.memref_slice %arg5[%dma_wait3A_46, %dma_wait3A_55] : memref<200x128xi32, #tpu.memory_space<vmem>> -> memref<1x128xi32, #tpu.memory_space<vmem>>
    %dma_wait3A_57 = tpu.memref_squeeze %dma_wait3A_56 : memref<1x128xi32, #tpu.memory_space<vmem>> -> memref<128xi32, #tpu.memory_space<vmem>>
    %dma_wait3A_58 = arith.constant 0 : i32
    %dma_wait3A_59 = arith.constant 0 : i32
    %dma_wait3A_60 = tpu.memref_slice %arg3[%dma_wait3A_58, %dma_wait3A_59] : memref<100000x128xf32, #tpu.memory_space<hbm>> -> memref<100000x128xf32, #tpu.memory_space<hbm>>
    tpu.wait_indirect_dma semaphore(%arg7 : memref<!tpu.dma_semaphore, #tpu.memory_space<semaphore_mem>>) src(%dma_wait3A_60 : memref<100000x128xf32, #tpu.memory_space<hbm>>) dst(%dma_wait3A_54 : memref<128x128xf32, #tpu.memory_space<vmem>>)
    %dma_start3A_61 = arith.constant 2 : i32
    %dma_start3A_62 = arith.constant 1 : i32
    %dma_start3A_63 = arith.constant 0 : i32
    %dma_start3A_64 = arith.constant 0 : i32
    %dma_start3A_65 = tpu.memref_slice %arg6[%dma_start3A_62, %dma_start3A_63, %dma_start3A_64] : memref<2x256x128xf32, #tpu.memory_space<vmem>> -> memref<1x256x128xf32, #tpu.memory_space<vmem>>
    %dma_start3A_66 = tpu.memref_squeeze %dma_start3A_65 : memref<1x256x128xf32, #tpu.memory_space<vmem>> -> memref<256x128xf32, #tpu.memory_space<vmem>>
    %dma_start3A_67 = arith.constant 0 : i32
    %dma_start3A_68 = arith.constant 0 : i32
    %dma_start3A_69 = tpu.memref_slice %dma_start3A_66[%dma_start3A_67, %dma_start3A_68] : memref<256x128xf32, #tpu.memory_space<vmem>> -> memref<128x128xf32, #tpu.memory_space<vmem>>
    %dma_start3A_70 = arith.constant 0 : i32
    %dma_start3A_71 = tpu.memref_slice %arg5[%dma_start3A_61, %dma_start3A_70] : memref<200x128xi32, #tpu.memory_space<vmem>> -> memref<1x128xi32, #tpu.memory_space<vmem>>
    %dma_start3A_72 = tpu.memref_squeeze %dma_start3A_71 : memref<1x128xi32, #tpu.memory_space<vmem>> -> memref<128xi32, #tpu.memory_space<vmem>>
    %dma_start3A_73 = arith.constant 0 : i32
    %dma_start3A_74 = arith.constant 0 : i32
    %dma_start3A_75 = tpu.memref_slice %arg3[%dma_start3A_73, %dma_start3A_74] : memref<100000x128xf32, #tpu.memory_space<hbm>> -> memref<100000x128xf32, #tpu.memory_space<hbm>>
    tpu.enqueue_indirect_dma source(%dma_start3A_75 : memref<100000x128xf32, #tpu.memory_space<hbm>>) target(%dma_start3A_69 : memref<128x128xf32, #tpu.memory_space<vmem>>) offsets(%dma_start3A_72 : memref<128xi32, #tpu.memory_space<vmem>>) semaphore(%arg8 : memref<!tpu.dma_semaphore, #tpu.memory_space<semaphore_mem>>)
    %dma_start3A_76 = arith.constant 3 : i32
    %dma_start3A_77 = arith.constant 1 : i32
    %dma_start3A_78 = arith.constant 0 : i32
    %dma_start3A_79 = arith.constant 0 : i32
    %dma_start3A_80 = tpu.memref_slice %arg6[%dma_start3A_77, %dma_start3A_78, %dma_start3A_79] : memref<2x256x128xf32, #tpu.memory_space<vmem>> -> memref<1x256x128xf32, #tpu.memory_space<vmem>>
    %dma_start3A_81 = tpu.memref_squeeze %dma_start3A_80 : memref<1x256x128xf32, #tpu.memory_space<vmem>> -> memref<256x128xf32, #tpu.memory_space<vmem>>
    %dma_start3A_82 = arith.constant 128 : i32
    %dma_start3A_83 = arith.constant 0 : i32
    %dma_start3A_84 = tpu.memref_slice %dma_start3A_81[%dma_start3A_82, %dma_start3A_83] : memref<256x128xf32, #tpu.memory_space<vmem>> -> memref<128x128xf32, #tpu.memory_space<vmem>>
    %dma_start3A_85 = arith.constant 0 : i32
    %dma_start3A_86 = tpu.memref_slice %arg5[%dma_start3A_76, %dma_start3A_85] : memref<200x128xi32, #tpu.memory_space<vmem>> -> memref<1x128xi32, #tpu.memory_space<vmem>>
    %dma_start3A_87 = tpu.memref_squeeze %dma_start3A_86 : memref<1x128xi32, #tpu.memory_space<vmem>> -> memref<128xi32, #tpu.memory_space<vmem>>
    %dma_start3A_88 = arith.constant 0 : i32
    %dma_start3A_89 = arith.constant 0 : i32
    %dma_start3A_90 = tpu.memref_slice %arg3[%dma_start3A_88, %dma_start3A_89] : memref<100000x128xf32, #tpu.memory_space<hbm>> -> memref<100000x128xf32, #tpu.memory_space<hbm>>
    tpu.enqueue_indirect_dma source(%dma_start3A_90 : memref<100000x128xf32, #tpu.memory_space<hbm>>) target(%dma_start3A_84 : memref<128x128xf32, #tpu.memory_space<vmem>>) offsets(%dma_start3A_87 : memref<128xi32, #tpu.memory_space<vmem>>) semaphore(%arg8 : memref<!tpu.dma_semaphore, #tpu.memory_space<semaphore_mem>>)
    %add3A_91 = arith.constant 0 : i32
    %add3A_92 = arith.addi %mul3A_2, %add3A_91 : i32
    %mul3A_93 = arith.constant 128 : i32
    %mul3A_94 = arith.muli %add3A_92, %mul3A_93 : i32
    %dma_start3A_95 = arith.constant 0 : i32
    %dma_start3A_96 = arith.constant 0 : i32
    %dma_start3A_97 = arith.constant 0 : i32
    %dma_start3A_98 = tpu.memref_slice %arg6[%dma_start3A_95, %dma_start3A_96, %dma_start3A_97] : memref<2x256x128xf32, #tpu.memory_space<vmem>> -> memref<1x256x128xf32, #tpu.memory_space<vmem>>
    %dma_start3A_99 = tpu.memref_squeeze %dma_start3A_98 : memref<1x256x128xf32, #tpu.memory_space<vmem>> -> memref<256x128xf32, #tpu.memory_space<vmem>>
    %dma_start3A_100 = arith.constant 0 : i32
    %dma_start3A_101 = tpu.memref_slice %arg4[%mul3A_94, %dma_start3A_100] : memref<819200x128xf32, #tpu.memory_space<hbm>> -> memref<256x128xf32, #tpu.memory_space<hbm>>
    %dma_start3A_102 = arith.constant 0 : i32
    %dma_start3A_103 = tpu.memref_slice %arg4[%mul3A_94, %dma_start3A_102] : memref<819200x128xf32, #tpu.memory_space<hbm>> -> memref<256x128xf32, #tpu.memory_space<hbm>>
    %dma_start3A_104 = arith.constant 0 : i32
    %dma_start3A_105 = arith.constant 0 : i32
    %dma_start3A_106 = tpu.memref_slice %arg6[%dma_start3A_95, %dma_start3A_104, %dma_start3A_105] : memref<2x256x128xf32, #tpu.memory_space<vmem>> -> memref<1x256x128xf32, #tpu.memory_space<vmem>>
    %dma_start3A_107 = tpu.memref_squeeze %dma_start3A_106 : memref<1x256x128xf32, #tpu.memory_space<vmem>> -> memref<256x128xf32, #tpu.memory_space<vmem>>
    tpu.enqueue_dma source(%dma_start3A_107 : memref<256x128xf32, #tpu.memory_space<vmem>>) target(%dma_start3A_103 : memref<256x128xf32, #tpu.memory_space<hbm>>) target_semaphore(%arg9 : memref<!tpu.dma_semaphore, #tpu.memory_space<semaphore_mem>>)
    %scan3A = arith.constant 0 : i32
    %scan3A_108 = arith.constant 49 : i32
    %scan3A_109 = arith.addi %scan3A, %scan3A_108 : i32
    %scan3A_110 = arith.constant 1 : i32
    scf.for %scan3A_189 = %scan3A to %scan3A_109 step %scan3A_110  : i32 {
      %mul3A_190 = arith.constant 2 : i32
      %mul3A_191 = arith.muli %scan3A_189, %mul3A_190 : i32
      %add3A_192 = arith.constant 1 : i32
      %add3A_193 = arith.addi %add3A_192, %mul3A_191 : i32
      %add3A_194 = arith.constant 0 : i32
      %add3A_195 = arith.addi %add3A_193, %add3A_194 : i32
      %dma_wait3A_196 = arith.constant 0 : i32
      %dma_wait3A_197 = arith.constant 1 : i32
      %dma_wait3A_198 = arith.constant 0 : i32
      %dma_wait3A_199 = arith.constant 0 : i32
      %dma_wait3A_200 = tpu.memref_slice %arg6[%dma_wait3A_197, %dma_wait3A_198, %dma_wait3A_199] : memref<2x256x128xf32, #tpu.memory_space<vmem>> -> memref<1x256x128xf32, #tpu.memory_space<vmem>>
      %dma_wait3A_201 = tpu.memref_squeeze %dma_wait3A_200 : memref<1x256x128xf32, #tpu.memory_space<vmem>> -> memref<256x128xf32, #tpu.memory_space<vmem>>
      %dma_wait3A_202 = arith.constant 0 : i32
      %dma_wait3A_203 = arith.constant 0 : i32
      %dma_wait3A_204 = tpu.memref_slice %dma_wait3A_201[%dma_wait3A_202, %dma_wait3A_203] : memref<256x128xf32, #tpu.memory_space<vmem>> -> memref<128x128xf32, #tpu.memory_space<vmem>>
      %dma_wait3A_205 = arith.constant 0 : i32
      %dma_wait3A_206 = tpu.memref_slice %arg5[%dma_wait3A_196, %dma_wait3A_205] : memref<200x128xi32, #tpu.memory_space<vmem>> -> memref<1x128xi32, #tpu.memory_space<vmem>>
      %dma_wait3A_207 = tpu.memref_squeeze %dma_wait3A_206 : memref<1x128xi32, #tpu.memory_space<vmem>> -> memref<128xi32, #tpu.memory_space<vmem>>
      %dma_wait3A_208 = arith.constant 0 : i32
      %dma_wait3A_209 = arith.constant 0 : i32
      %dma_wait3A_210 = tpu.memref_slice %arg3[%dma_wait3A_208, %dma_wait3A_209] : memref<100000x128xf32, #tpu.memory_space<hbm>> -> memref<100000x128xf32, #tpu.memory_space<hbm>>
      tpu.wait_indirect_dma semaphore(%arg8 : memref<!tpu.dma_semaphore, #tpu.memory_space<semaphore_mem>>) src(%dma_wait3A_210 : memref<100000x128xf32, #tpu.memory_space<hbm>>) dst(%dma_wait3A_204 : memref<128x128xf32, #tpu.memory_space<vmem>>)
      %dma_wait3A_211 = arith.constant 0 : i32
      %dma_wait3A_212 = arith.constant 1 : i32
      %dma_wait3A_213 = arith.constant 0 : i32
      %dma_wait3A_214 = arith.constant 0 : i32
      %dma_wait3A_215 = tpu.memref_slice %arg6[%dma_wait3A_212, %dma_wait3A_213, %dma_wait3A_214] : memref<2x256x128xf32, #tpu.memory_space<vmem>> -> memref<1x256x128xf32, #tpu.memory_space<vmem>>
      %dma_wait3A_216 = tpu.memref_squeeze %dma_wait3A_215 : memref<1x256x128xf32, #tpu.memory_space<vmem>> -> memref<256x128xf32, #tpu.memory_space<vmem>>
      %dma_wait3A_217 = arith.constant 128 : i32
      %dma_wait3A_218 = arith.constant 0 : i32
      %dma_wait3A_219 = tpu.memref_slice %dma_wait3A_216[%dma_wait3A_217, %dma_wait3A_218] : memref<256x128xf32, #tpu.memory_space<vmem>> -> memref<128x128xf32, #tpu.memory_space<vmem>>
      %dma_wait3A_220 = arith.constant 0 : i32
      %dma_wait3A_221 = tpu.memref_slice %arg5[%dma_wait3A_211, %dma_wait3A_220] : memref<200x128xi32, #tpu.memory_space<vmem>> -> memref<1x128xi32, #tpu.memory_space<vmem>>
      %dma_wait3A_222 = tpu.memref_squeeze %dma_wait3A_221 : memref<1x128xi32, #tpu.memory_space<vmem>> -> memref<128xi32, #tpu.memory_space<vmem>>
      %dma_wait3A_223 = arith.constant 0 : i32
      %dma_wait3A_224 = arith.constant 0 : i32
      %dma_wait3A_225 = tpu.memref_slice %arg3[%dma_wait3A_223, %dma_wait3A_224] : memref<100000x128xf32, #tpu.memory_space<hbm>> -> memref<100000x128xf32, #tpu.memory_space<hbm>>
      tpu.wait_indirect_dma semaphore(%arg8 : memref<!tpu.dma_semaphore, #tpu.memory_space<semaphore_mem>>) src(%dma_wait3A_225 : memref<100000x128xf32, #tpu.memory_space<hbm>>) dst(%dma_wait3A_219 : memref<128x128xf32, #tpu.memory_space<vmem>>)
      %mul3A_226 = arith.constant 2 : i32
      %mul3A_227 = arith.muli %add3A_195, %mul3A_226 : i32
      %add3A_228 = arith.addi %mul3A_2, %mul3A_227 : i32
      %mul3A_229 = arith.constant 128 : i32
      %mul3A_230 = arith.muli %add3A_228, %mul3A_229 : i32
      %dma_start3A_231 = arith.constant 1 : i32
      %dma_start3A_232 = arith.constant 0 : i32
      %dma_start3A_233 = arith.constant 0 : i32
      %dma_start3A_234 = tpu.memref_slice %arg6[%dma_start3A_231, %dma_start3A_232, %dma_start3A_233] : memref<2x256x128xf32, #tpu.memory_space<vmem>> -> memref<1x256x128xf32, #tpu.memory_space<vmem>>
      %dma_start3A_235 = tpu.memref_squeeze %dma_start3A_234 : memref<1x256x128xf32, #tpu.memory_space<vmem>> -> memref<256x128xf32, #tpu.memory_space<vmem>>
      %dma_start3A_236 = arith.constant 0 : i32
      %dma_start3A_237 = tpu.memref_slice %arg4[%mul3A_230, %dma_start3A_236] : memref<819200x128xf32, #tpu.memory_space<hbm>> -> memref<256x128xf32, #tpu.memory_space<hbm>>
      %dma_start3A_238 = arith.constant 0 : i32
      %dma_start3A_239 = tpu.memref_slice %arg4[%mul3A_230, %dma_start3A_238] : memref<819200x128xf32, #tpu.memory_space<hbm>> -> memref<256x128xf32, #tpu.memory_space<hbm>>
      %dma_start3A_240 = arith.constant 0 : i32
      %dma_start3A_241 = arith.constant 0 : i32
      %dma_start3A_242 = tpu.memref_slice %arg6[%dma_start3A_231, %dma_start3A_240, %dma_start3A_241] : memref<2x256x128xf32, #tpu.memory_space<vmem>> -> memref<1x256x128xf32, #tpu.memory_space<vmem>>
      %dma_start3A_243 = tpu.memref_squeeze %dma_start3A_242 : memref<1x256x128xf32, #tpu.memory_space<vmem>> -> memref<256x128xf32, #tpu.memory_space<vmem>>
      tpu.enqueue_dma source(%dma_start3A_243 : memref<256x128xf32, #tpu.memory_space<vmem>>) target(%dma_start3A_239 : memref<256x128xf32, #tpu.memory_space<hbm>>) target_semaphore(%arg10 : memref<!tpu.dma_semaphore, #tpu.memory_space<semaphore_mem>>)
      %dma_wait3A_244 = arith.constant 0 : i32
      %dma_wait3A_245 = arith.constant 0 : i32
      %dma_wait3A_246 = arith.constant 0 : i32
      %dma_wait3A_247 = tpu.memref_slice %arg6[%dma_wait3A_244, %dma_wait3A_245, %dma_wait3A_246] : memref<2x256x128xf32, #tpu.memory_space<vmem>> -> memref<1x256x128xf32, #tpu.memory_space<vmem>>
      %dma_wait3A_248 = tpu.memref_squeeze %dma_wait3A_247 : memref<1x256x128xf32, #tpu.memory_space<vmem>> -> memref<256x128xf32, #tpu.memory_space<vmem>>
      %dma_wait3A_249 = arith.constant 0 : i32
      %dma_wait3A_250 = arith.constant 0 : i32
      %dma_wait3A_251 = tpu.memref_slice %arg4[%dma_wait3A_249, %dma_wait3A_250] : memref<819200x128xf32, #tpu.memory_space<hbm>> -> memref<256x128xf32, #tpu.memory_space<hbm>>
      %dma_wait3A_252 = arith.constant 0 : i32
      %dma_wait3A_253 = arith.constant 0 : i32
      %dma_wait3A_254 = tpu.memref_slice %arg4[%dma_wait3A_252, %dma_wait3A_253] : memref<819200x128xf32, #tpu.memory_space<hbm>> -> memref<256x128xf32, #tpu.memory_space<hbm>>
      %dma_wait3A_255 = arith.constant 0 : i32
      %dma_wait3A_256 = arith.constant 0 : i32
      %dma_wait3A_257 = tpu.memref_slice %arg6[%dma_wait3A_244, %dma_wait3A_255, %dma_wait3A_256] : memref<2x256x128xf32, #tpu.memory_space<vmem>> -> memref<1x256x128xf32, #tpu.memory_space<vmem>>
      %dma_wait3A_258 = tpu.memref_squeeze %dma_wait3A_257 : memref<1x256x128xf32, #tpu.memory_space<vmem>> -> memref<256x128xf32, #tpu.memory_space<vmem>>
      tpu.wait_dma2 semaphore(%arg9 : memref<!tpu.dma_semaphore, #tpu.memory_space<semaphore_mem>>) src(%dma_wait3A_258 : memref<256x128xf32, #tpu.memory_space<vmem>>) dst(%dma_wait3A_254 : memref<256x128xf32, #tpu.memory_space<hbm>>)
      %add3A_259 = arith.constant 1 : i32
      %add3A_260 = arith.addi %add3A_195, %add3A_259 : i32
      %mul3A_261 = arith.constant 2 : i32
      %mul3A_262 = arith.muli %add3A_260, %mul3A_261 : i32
      %add3A_263 = arith.constant 0 : i32
      %add3A_264 = arith.addi %mul3A_262, %add3A_263 : i32
      %dma_start3A_265 = arith.constant 0 : i32
      %dma_start3A_266 = arith.constant 0 : i32
      %dma_start3A_267 = arith.constant 0 : i32
      %dma_start3A_268 = tpu.memref_slice %arg6[%dma_start3A_265, %dma_start3A_266, %dma_start3A_267] : memref<2x256x128xf32, #tpu.memory_space<vmem>> -> memref<1x256x128xf32, #tpu.memory_space<vmem>>
      %dma_start3A_269 = tpu.memref_squeeze %dma_start3A_268 : memref<1x256x128xf32, #tpu.memory_space<vmem>> -> memref<256x128xf32, #tpu.memory_space<vmem>>
      %dma_start3A_270 = arith.constant 0 : i32
      %dma_start3A_271 = arith.constant 0 : i32
      %dma_start3A_272 = tpu.memref_slice %dma_start3A_269[%dma_start3A_270, %dma_start3A_271] : memref<256x128xf32, #tpu.memory_space<vmem>> -> memref<128x128xf32, #tpu.memory_space<vmem>>
      %dma_start3A_273 = arith.constant 0 : i32
      %dma_start3A_274 = tpu.memref_slice %arg5[%add3A_264, %dma_start3A_273] : memref<200x128xi32, #tpu.memory_space<vmem>> -> memref<1x128xi32, #tpu.memory_space<vmem>>
      %dma_start3A_275 = tpu.memref_squeeze %dma_start3A_274 : memref<1x128xi32, #tpu.memory_space<vmem>> -> memref<128xi32, #tpu.memory_space<vmem>>
      %dma_start3A_276 = arith.constant 0 : i32
      %dma_start3A_277 = arith.constant 0 : i32
      %dma_start3A_278 = tpu.memref_slice %arg3[%dma_start3A_276, %dma_start3A_277] : memref<100000x128xf32, #tpu.memory_space<hbm>> -> memref<100000x128xf32, #tpu.memory_space<hbm>>
      tpu.enqueue_indirect_dma source(%dma_start3A_278 : memref<100000x128xf32, #tpu.memory_space<hbm>>) target(%dma_start3A_272 : memref<128x128xf32, #tpu.memory_space<vmem>>) offsets(%dma_start3A_275 : memref<128xi32, #tpu.memory_space<vmem>>) semaphore(%arg7 : memref<!tpu.dma_semaphore, #tpu.memory_space<semaphore_mem>>)
      %mul3A_279 = arith.constant 2 : i32
      %mul3A_280 = arith.muli %add3A_260, %mul3A_279 : i32
      %add3A_281 = arith.constant 1 : i32
      %add3A_282 = arith.addi %mul3A_280, %add3A_281 : i32
      %dma_start3A_283 = arith.constant 0 : i32
      %dma_start3A_284 = arith.constant 0 : i32
      %dma_start3A_285 = arith.constant 0 : i32
      %dma_start3A_286 = tpu.memref_slice %arg6[%dma_start3A_283, %dma_start3A_284, %dma_start3A_285] : memref<2x256x128xf32, #tpu.memory_space<vmem>> -> memref<1x256x128xf32, #tpu.memory_space<vmem>>
      %dma_start3A_287 = tpu.memref_squeeze %dma_start3A_286 : memref<1x256x128xf32, #tpu.memory_space<vmem>> -> memref<256x128xf32, #tpu.memory_space<vmem>>
      %dma_start3A_288 = arith.constant 128 : i32
      %dma_start3A_289 = arith.constant 0 : i32
      %dma_start3A_290 = tpu.memref_slice %dma_start3A_287[%dma_start3A_288, %dma_start3A_289] : memref<256x128xf32, #tpu.memory_space<vmem>> -> memref<128x128xf32, #tpu.memory_space<vmem>>
      %dma_start3A_291 = arith.constant 0 : i32
      %dma_start3A_292 = tpu.memref_slice %arg5[%add3A_282, %dma_start3A_291] : memref<200x128xi32, #tpu.memory_space<vmem>> -> memref<1x128xi32, #tpu.memory_space<vmem>>
      %dma_start3A_293 = tpu.memref_squeeze %dma_start3A_292 : memref<1x128xi32, #tpu.memory_space<vmem>> -> memref<128xi32, #tpu.memory_space<vmem>>
      %dma_start3A_294 = arith.constant 0 : i32
      %dma_start3A_295 = arith.constant 0 : i32
      %dma_start3A_296 = tpu.memref_slice %arg3[%dma_start3A_294, %dma_start3A_295] : memref<100000x128xf32, #tpu.memory_space<hbm>> -> memref<100000x128xf32, #tpu.memory_space<hbm>>
      tpu.enqueue_indirect_dma source(%dma_start3A_296 : memref<100000x128xf32, #tpu.memory_space<hbm>>) target(%dma_start3A_290 : memref<128x128xf32, #tpu.memory_space<vmem>>) offsets(%dma_start3A_293 : memref<128xi32, #tpu.memory_space<vmem>>) semaphore(%arg7 : memref<!tpu.dma_semaphore, #tpu.memory_space<semaphore_mem>>)
      %add3A_297 = arith.constant 1 : i32
      %add3A_298 = arith.addi %add3A_193, %add3A_297 : i32
      %dma_wait3A_299 = arith.constant 0 : i32
      %dma_wait3A_300 = arith.constant 0 : i32
      %dma_wait3A_301 = arith.constant 0 : i32
      %dma_wait3A_302 = arith.constant 0 : i32
      %dma_wait3A_303 = tpu.memref_slice %arg6[%dma_wait3A_300, %dma_wait3A_301, %dma_wait3A_302] : memref<2x256x128xf32, #tpu.memory_space<vmem>> -> memref<1x256x128xf32, #tpu.memory_space<vmem>>
      %dma_wait3A_304 = tpu.memref_squeeze %dma_wait3A_303 : memref<1x256x128xf32, #tpu.memory_space<vmem>> -> memref<256x128xf32, #tpu.memory_space<vmem>>
      %dma_wait3A_305 = arith.constant 0 : i32
      %dma_wait3A_306 = arith.constant 0 : i32
      %dma_wait3A_307 = tpu.memref_slice %dma_wait3A_304[%dma_wait3A_305, %dma_wait3A_306] : memref<256x128xf32, #tpu.memory_space<vmem>> -> memref<128x128xf32, #tpu.memory_space<vmem>>
      %dma_wait3A_308 = arith.constant 0 : i32
      %dma_wait3A_309 = tpu.memref_slice %arg5[%dma_wait3A_299, %dma_wait3A_308] : memref<200x128xi32, #tpu.memory_space<vmem>> -> memref<1x128xi32, #tpu.memory_space<vmem>>
      %dma_wait3A_310 = tpu.memref_squeeze %dma_wait3A_309 : memref<1x128xi32, #tpu.memory_space<vmem>> -> memref<128xi32, #tpu.memory_space<vmem>>
      %dma_wait3A_311 = arith.constant 0 : i32
      %dma_wait3A_312 = arith.constant 0 : i32
      %dma_wait3A_313 = tpu.memref_slice %arg3[%dma_wait3A_311, %dma_wait3A_312] : memref<100000x128xf32, #tpu.memory_space<hbm>> -> memref<100000x128xf32, #tpu.memory_space<hbm>>
      tpu.wait_indirect_dma semaphore(%arg7 : memref<!tpu.dma_semaphore, #tpu.memory_space<semaphore_mem>>) src(%dma_wait3A_313 : memref<100000x128xf32, #tpu.memory_space<hbm>>) dst(%dma_wait3A_307 : memref<128x128xf32, #tpu.memory_space<vmem>>)
      %dma_wait3A_314 = arith.constant 0 : i32
      %dma_wait3A_315 = arith.constant 0 : i32
      %dma_wait3A_316 = arith.constant 0 : i32
      %dma_wait3A_317 = arith.constant 0 : i32
      %dma_wait3A_318 = tpu.memref_slice %arg6[%dma_wait3A_315, %dma_wait3A_316, %dma_wait3A_317] : memref<2x256x128xf32, #tpu.memory_space<vmem>> -> memref<1x256x128xf32, #tpu.memory_space<vmem>>
      %dma_wait3A_319 = tpu.memref_squeeze %dma_wait3A_318 : memref<1x256x128xf32, #tpu.memory_space<vmem>> -> memref<256x128xf32, #tpu.memory_space<vmem>>
      %dma_wait3A_320 = arith.constant 128 : i32
      %dma_wait3A_321 = arith.constant 0 : i32
      %dma_wait3A_322 = tpu.memref_slice %dma_wait3A_319[%dma_wait3A_320, %dma_wait3A_321] : memref<256x128xf32, #tpu.memory_space<vmem>> -> memref<128x128xf32, #tpu.memory_space<vmem>>
      %dma_wait3A_323 = arith.constant 0 : i32
      %dma_wait3A_324 = tpu.memref_slice %arg5[%dma_wait3A_314, %dma_wait3A_323] : memref<200x128xi32, #tpu.memory_space<vmem>> -> memref<1x128xi32, #tpu.memory_space<vmem>>
      %dma_wait3A_325 = tpu.memref_squeeze %dma_wait3A_324 : memref<1x128xi32, #tpu.memory_space<vmem>> -> memref<128xi32, #tpu.memory_space<vmem>>
      %dma_wait3A_326 = arith.constant 0 : i32
      %dma_wait3A_327 = arith.constant 0 : i32
      %dma_wait3A_328 = tpu.memref_slice %arg3[%dma_wait3A_326, %dma_wait3A_327] : memref<100000x128xf32, #tpu.memory_space<hbm>> -> memref<100000x128xf32, #tpu.memory_space<hbm>>
      tpu.wait_indirect_dma semaphore(%arg7 : memref<!tpu.dma_semaphore, #tpu.memory_space<semaphore_mem>>) src(%dma_wait3A_328 : memref<100000x128xf32, #tpu.memory_space<hbm>>) dst(%dma_wait3A_322 : memref<128x128xf32, #tpu.memory_space<vmem>>)
      %mul3A_329 = arith.constant 2 : i32
      %mul3A_330 = arith.muli %add3A_298, %mul3A_329 : i32
      %add3A_331 = arith.addi %mul3A_2, %mul3A_330 : i32
      %mul3A_332 = arith.constant 128 : i32
      %mul3A_333 = arith.muli %add3A_331, %mul3A_332 : i32
      %dma_start3A_334 = arith.constant 0 : i32
      %dma_start3A_335 = arith.constant 0 : i32
      %dma_start3A_336 = arith.constant 0 : i32
      %dma_start3A_337 = tpu.memref_slice %arg6[%dma_start3A_334, %dma_start3A_335, %dma_start3A_336] : memref<2x256x128xf32, #tpu.memory_space<vmem>> -> memref<1x256x128xf32, #tpu.memory_space<vmem>>
      %dma_start3A_338 = tpu.memref_squeeze %dma_start3A_337 : memref<1x256x128xf32, #tpu.memory_space<vmem>> -> memref<256x128xf32, #tpu.memory_space<vmem>>
      %dma_start3A_339 = arith.constant 0 : i32
      %dma_start3A_340 = tpu.memref_slice %arg4[%mul3A_333, %dma_start3A_339] : memref<819200x128xf32, #tpu.memory_space<hbm>> -> memref<256x128xf32, #tpu.memory_space<hbm>>
      %dma_start3A_341 = arith.constant 0 : i32
      %dma_start3A_342 = tpu.memref_slice %arg4[%mul3A_333, %dma_start3A_341] : memref<819200x128xf32, #tpu.memory_space<hbm>> -> memref<256x128xf32, #tpu.memory_space<hbm>>
      %dma_start3A_343 = arith.constant 0 : i32
      %dma_start3A_344 = arith.constant 0 : i32
      %dma_start3A_345 = tpu.memref_slice %arg6[%dma_start3A_334, %dma_start3A_343, %dma_start3A_344] : memref<2x256x128xf32, #tpu.memory_space<vmem>> -> memref<1x256x128xf32, #tpu.memory_space<vmem>>
      %dma_start3A_346 = tpu.memref_squeeze %dma_start3A_345 : memref<1x256x128xf32, #tpu.memory_space<vmem>> -> memref<256x128xf32, #tpu.memory_space<vmem>>
      tpu.enqueue_dma source(%dma_start3A_346 : memref<256x128xf32, #tpu.memory_space<vmem>>) target(%dma_start3A_342 : memref<256x128xf32, #tpu.memory_space<hbm>>) target_semaphore(%arg9 : memref<!tpu.dma_semaphore, #tpu.memory_space<semaphore_mem>>)
      %dma_wait3A_347 = arith.constant 1 : i32
      %dma_wait3A_348 = arith.constant 0 : i32
      %dma_wait3A_349 = arith.constant 0 : i32
      %dma_wait3A_350 = tpu.memref_slice %arg6[%dma_wait3A_347, %dma_wait3A_348, %dma_wait3A_349] : memref<2x256x128xf32, #tpu.memory_space<vmem>> -> memref<1x256x128xf32, #tpu.memory_space<vmem>>
      %dma_wait3A_351 = tpu.memref_squeeze %dma_wait3A_350 : memref<1x256x128xf32, #tpu.memory_space<vmem>> -> memref<256x128xf32, #tpu.memory_space<vmem>>
      %dma_wait3A_352 = arith.constant 0 : i32
      %dma_wait3A_353 = arith.constant 0 : i32
      %dma_wait3A_354 = tpu.memref_slice %arg4[%dma_wait3A_352, %dma_wait3A_353] : memref<819200x128xf32, #tpu.memory_space<hbm>> -> memref<256x128xf32, #tpu.memory_space<hbm>>
      %dma_wait3A_355 = arith.constant 0 : i32
      %dma_wait3A_356 = arith.constant 0 : i32
      %dma_wait3A_357 = tpu.memref_slice %arg4[%dma_wait3A_355, %dma_wait3A_356] : memref<819200x128xf32, #tpu.memory_space<hbm>> -> memref<256x128xf32, #tpu.memory_space<hbm>>
      %dma_wait3A_358 = arith.constant 0 : i32
      %dma_wait3A_359 = arith.constant 0 : i32
      %dma_wait3A_360 = tpu.memref_slice %arg6[%dma_wait3A_347, %dma_wait3A_358, %dma_wait3A_359] : memref<2x256x128xf32, #tpu.memory_space<vmem>> -> memref<1x256x128xf32, #tpu.memory_space<vmem>>
      %dma_wait3A_361 = tpu.memref_squeeze %dma_wait3A_360 : memref<1x256x128xf32, #tpu.memory_space<vmem>> -> memref<256x128xf32, #tpu.memory_space<vmem>>
      tpu.wait_dma2 semaphore(%arg10 : memref<!tpu.dma_semaphore, #tpu.memory_space<semaphore_mem>>) src(%dma_wait3A_361 : memref<256x128xf32, #tpu.memory_space<vmem>>) dst(%dma_wait3A_357 : memref<256x128xf32, #tpu.memory_space<hbm>>)
      %add3A_362 = arith.constant 1 : i32
      %add3A_363 = arith.addi %add3A_298, %add3A_362 : i32
      %mul3A_364 = arith.constant 2 : i32
      %mul3A_365 = arith.muli %add3A_363, %mul3A_364 : i32
      %add3A_366 = arith.constant 0 : i32
      %add3A_367 = arith.addi %mul3A_365, %add3A_366 : i32
      %dma_start3A_368 = arith.constant 1 : i32
      %dma_start3A_369 = arith.constant 0 : i32
      %dma_start3A_370 = arith.constant 0 : i32
      %dma_start3A_371 = tpu.memref_slice %arg6[%dma_start3A_368, %dma_start3A_369, %dma_start3A_370] : memref<2x256x128xf32, #tpu.memory_space<vmem>> -> memref<1x256x128xf32, #tpu.memory_space<vmem>>
      %dma_start3A_372 = tpu.memref_squeeze %dma_start3A_371 : memref<1x256x128xf32, #tpu.memory_space<vmem>> -> memref<256x128xf32, #tpu.memory_space<vmem>>
      %dma_start3A_373 = arith.constant 0 : i32
      %dma_start3A_374 = arith.constant 0 : i32
      %dma_start3A_375 = tpu.memref_slice %dma_start3A_372[%dma_start3A_373, %dma_start3A_374] : memref<256x128xf32, #tpu.memory_space<vmem>> -> memref<128x128xf32, #tpu.memory_space<vmem>>
      %dma_start3A_376 = arith.constant 0 : i32
      %dma_start3A_377 = tpu.memref_slice %arg5[%add3A_367, %dma_start3A_376] : memref<200x128xi32, #tpu.memory_space<vmem>> -> memref<1x128xi32, #tpu.memory_space<vmem>>
      %dma_start3A_378 = tpu.memref_squeeze %dma_start3A_377 : memref<1x128xi32, #tpu.memory_space<vmem>> -> memref<128xi32, #tpu.memory_space<vmem>>
      %dma_start3A_379 = arith.constant 0 : i32
      %dma_start3A_380 = arith.constant 0 : i32
      %dma_start3A_381 = tpu.memref_slice %arg3[%dma_start3A_379, %dma_start3A_380] : memref<100000x128xf32, #tpu.memory_space<hbm>> -> memref<100000x128xf32, #tpu.memory_space<hbm>>
      tpu.enqueue_indirect_dma source(%dma_start3A_381 : memref<100000x128xf32, #tpu.memory_space<hbm>>) target(%dma_start3A_375 : memref<128x128xf32, #tpu.memory_space<vmem>>) offsets(%dma_start3A_378 : memref<128xi32, #tpu.memory_space<vmem>>) semaphore(%arg8 : memref<!tpu.dma_semaphore, #tpu.memory_space<semaphore_mem>>)
      %mul3A_382 = arith.constant 2 : i32
      %mul3A_383 = arith.muli %add3A_363, %mul3A_382 : i32
      %add3A_384 = arith.constant 1 : i32
      %add3A_385 = arith.addi %mul3A_383, %add3A_384 : i32
      %dma_start3A_386 = arith.constant 1 : i32
      %dma_start3A_387 = arith.constant 0 : i32
      %dma_start3A_388 = arith.constant 0 : i32
      %dma_start3A_389 = tpu.memref_slice %arg6[%dma_start3A_386, %dma_start3A_387, %dma_start3A_388] : memref<2x256x128xf32, #tpu.memory_space<vmem>> -> memref<1x256x128xf32, #tpu.memory_space<vmem>>
      %dma_start3A_390 = tpu.memref_squeeze %dma_start3A_389 : memref<1x256x128xf32, #tpu.memory_space<vmem>> -> memref<256x128xf32, #tpu.memory_space<vmem>>
      %dma_start3A_391 = arith.constant 128 : i32
      %dma_start3A_392 = arith.constant 0 : i32
      %dma_start3A_393 = tpu.memref_slice %dma_start3A_390[%dma_start3A_391, %dma_start3A_392] : memref<256x128xf32, #tpu.memory_space<vmem>> -> memref<128x128xf32, #tpu.memory_space<vmem>>
      %dma_start3A_394 = arith.constant 0 : i32
      %dma_start3A_395 = tpu.memref_slice %arg5[%add3A_385, %dma_start3A_394] : memref<200x128xi32, #tpu.memory_space<vmem>> -> memref<1x128xi32, #tpu.memory_space<vmem>>
      %dma_start3A_396 = tpu.memref_squeeze %dma_start3A_395 : memref<1x128xi32, #tpu.memory_space<vmem>> -> memref<128xi32, #tpu.memory_space<vmem>>
      %dma_start3A_397 = arith.constant 0 : i32
      %dma_start3A_398 = arith.constant 0 : i32
      %dma_start3A_399 = tpu.memref_slice %arg3[%dma_start3A_397, %dma_start3A_398] : memref<100000x128xf32, #tpu.memory_space<hbm>> -> memref<100000x128xf32, #tpu.memory_space<hbm>>
      tpu.enqueue_indirect_dma source(%dma_start3A_399 : memref<100000x128xf32, #tpu.memory_space<hbm>>) target(%dma_start3A_393 : memref<128x128xf32, #tpu.memory_space<vmem>>) offsets(%dma_start3A_396 : memref<128xi32, #tpu.memory_space<vmem>>) semaphore(%arg8 : memref<!tpu.dma_semaphore, #tpu.memory_space<semaphore_mem>>)
    }
    %scan3A_111 = arith.constant 49 : i32
    %dma_wait3A_112 = arith.constant 0 : i32
    %dma_wait3A_113 = arith.constant 1 : i32
    %dma_wait3A_114 = arith.constant 0 : i32
    %dma_wait3A_115 = arith.constant 0 : i32
    %dma_wait3A_116 = tpu.memref_slice %arg6[%dma_wait3A_113, %dma_wait3A_114, %dma_wait3A_115] : memref<2x256x128xf32, #tpu.memory_space<vmem>> -> memref<1x256x128xf32, #tpu.memory_space<vmem>>
    %dma_wait3A_117 = tpu.memref_squeeze %dma_wait3A_116 : memref<1x256x128xf32, #tpu.memory_space<vmem>> -> memref<256x128xf32, #tpu.memory_space<vmem>>
    %dma_wait3A_118 = arith.constant 0 : i32
    %dma_wait3A_119 = arith.constant 0 : i32
    %dma_wait3A_120 = tpu.memref_slice %dma_wait3A_117[%dma_wait3A_118, %dma_wait3A_119] : memref<256x128xf32, #tpu.memory_space<vmem>> -> memref<128x128xf32, #tpu.memory_space<vmem>>
    %dma_wait3A_121 = arith.constant 0 : i32
    %dma_wait3A_122 = tpu.memref_slice %arg5[%dma_wait3A_112, %dma_wait3A_121] : memref<200x128xi32, #tpu.memory_space<vmem>> -> memref<1x128xi32, #tpu.memory_space<vmem>>
    %dma_wait3A_123 = tpu.memref_squeeze %dma_wait3A_122 : memref<1x128xi32, #tpu.memory_space<vmem>> -> memref<128xi32, #tpu.memory_space<vmem>>
    %dma_wait3A_124 = arith.constant 0 : i32
    %dma_wait3A_125 = arith.constant 0 : i32
    %dma_wait3A_126 = tpu.memref_slice %arg3[%dma_wait3A_124, %dma_wait3A_125] : memref<100000x128xf32, #tpu.memory_space<hbm>> -> memref<100000x128xf32, #tpu.memory_space<hbm>>
    tpu.wait_indirect_dma semaphore(%arg8 : memref<!tpu.dma_semaphore, #tpu.memory_space<semaphore_mem>>) src(%dma_wait3A_126 : memref<100000x128xf32, #tpu.memory_space<hbm>>) dst(%dma_wait3A_120 : memref<128x128xf32, #tpu.memory_space<vmem>>)
    %dma_wait3A_127 = arith.constant 0 : i32
    %dma_wait3A_128 = arith.constant 1 : i32
    %dma_wait3A_129 = arith.constant 0 : i32
    %dma_wait3A_130 = arith.constant 0 : i32
    %dma_wait3A_131 = tpu.memref_slice %arg6[%dma_wait3A_128, %dma_wait3A_129, %dma_wait3A_130] : memref<2x256x128xf32, #tpu.memory_space<vmem>> -> memref<1x256x128xf32, #tpu.memory_space<vmem>>
    %dma_wait3A_132 = tpu.memref_squeeze %dma_wait3A_131 : memref<1x256x128xf32, #tpu.memory_space<vmem>> -> memref<256x128xf32, #tpu.memory_space<vmem>>
    %dma_wait3A_133 = arith.constant 128 : i32
    %dma_wait3A_134 = arith.constant 0 : i32
    %dma_wait3A_135 = tpu.memref_slice %dma_wait3A_132[%dma_wait3A_133, %dma_wait3A_134] : memref<256x128xf32, #tpu.memory_space<vmem>> -> memref<128x128xf32, #tpu.memory_space<vmem>>
    %dma_wait3A_136 = arith.constant 0 : i32
    %dma_wait3A_137 = tpu.memref_slice %arg5[%dma_wait3A_127, %dma_wait3A_136] : memref<200x128xi32, #tpu.memory_space<vmem>> -> memref<1x128xi32, #tpu.memory_space<vmem>>
    %dma_wait3A_138 = tpu.memref_squeeze %dma_wait3A_137 : memref<1x128xi32, #tpu.memory_space<vmem>> -> memref<128xi32, #tpu.memory_space<vmem>>
    %dma_wait3A_139 = arith.constant 0 : i32
    %dma_wait3A_140 = arith.constant 0 : i32
    %dma_wait3A_141 = tpu.memref_slice %arg3[%dma_wait3A_139, %dma_wait3A_140] : memref<100000x128xf32, #tpu.memory_space<hbm>> -> memref<100000x128xf32, #tpu.memory_space<hbm>>
    tpu.wait_indirect_dma semaphore(%arg8 : memref<!tpu.dma_semaphore, #tpu.memory_space<semaphore_mem>>) src(%dma_wait3A_141 : memref<100000x128xf32, #tpu.memory_space<hbm>>) dst(%dma_wait3A_135 : memref<128x128xf32, #tpu.memory_space<vmem>>)
    %dma_wait3A_142 = arith.constant 0 : i32
    %dma_wait3A_143 = arith.constant 0 : i32
    %dma_wait3A_144 = arith.constant 0 : i32
    %dma_wait3A_145 = tpu.memref_slice %arg6[%dma_wait3A_142, %dma_wait3A_143, %dma_wait3A_144] : memref<2x256x128xf32, #tpu.memory_space<vmem>> -> memref<1x256x128xf32, #tpu.memory_space<vmem>>
    %dma_wait3A_146 = tpu.memref_squeeze %dma_wait3A_145 : memref<1x256x128xf32, #tpu.memory_space<vmem>> -> memref<256x128xf32, #tpu.memory_space<vmem>>
    %dma_wait3A_147 = arith.constant 0 : i32
    %dma_wait3A_148 = arith.constant 0 : i32
    %dma_wait3A_149 = tpu.memref_slice %arg4[%dma_wait3A_147, %dma_wait3A_148] : memref<819200x128xf32, #tpu.memory_space<hbm>> -> memref<256x128xf32, #tpu.memory_space<hbm>>
    %dma_wait3A_150 = arith.constant 0 : i32
    %dma_wait3A_151 = arith.constant 0 : i32
    %dma_wait3A_152 = tpu.memref_slice %arg4[%dma_wait3A_150, %dma_wait3A_151] : memref<819200x128xf32, #tpu.memory_space<hbm>> -> memref<256x128xf32, #tpu.memory_space<hbm>>
    %dma_wait3A_153 = arith.constant 0 : i32
    %dma_wait3A_154 = arith.constant 0 : i32
    %dma_wait3A_155 = tpu.memref_slice %arg6[%dma_wait3A_142, %dma_wait3A_153, %dma_wait3A_154] : memref<2x256x128xf32, #tpu.memory_space<vmem>> -> memref<1x256x128xf32, #tpu.memory_space<vmem>>
    %dma_wait3A_156 = tpu.memref_squeeze %dma_wait3A_155 : memref<1x256x128xf32, #tpu.memory_space<vmem>> -> memref<256x128xf32, #tpu.memory_space<vmem>>
    tpu.wait_dma2 semaphore(%arg9 : memref<!tpu.dma_semaphore, #tpu.memory_space<semaphore_mem>>) src(%dma_wait3A_156 : memref<256x128xf32, #tpu.memory_space<vmem>>) dst(%dma_wait3A_152 : memref<256x128xf32, #tpu.memory_space<hbm>>)
    %add3A_157 = arith.constant 198 : i32
    %add3A_158 = arith.addi %mul3A_2, %add3A_157 : i32
    %mul3A_159 = arith.constant 128 : i32
    %mul3A_160 = arith.muli %add3A_158, %mul3A_159 : i32
    %dma_start3A_161 = arith.constant 1 : i32
    %dma_start3A_162 = arith.constant 0 : i32
    %dma_start3A_163 = arith.constant 0 : i32
    %dma_start3A_164 = tpu.memref_slice %arg6[%dma_start3A_161, %dma_start3A_162, %dma_start3A_163] : memref<2x256x128xf32, #tpu.memory_space<vmem>> -> memref<1x256x128xf32, #tpu.memory_space<vmem>>
    %dma_start3A_165 = tpu.memref_squeeze %dma_start3A_164 : memref<1x256x128xf32, #tpu.memory_space<vmem>> -> memref<256x128xf32, #tpu.memory_space<vmem>>
    %dma_start3A_166 = arith.constant 0 : i32
    %dma_start3A_167 = tpu.memref_slice %arg4[%mul3A_160, %dma_start3A_166] : memref<819200x128xf32, #tpu.memory_space<hbm>> -> memref<256x128xf32, #tpu.memory_space<hbm>>
    %dma_start3A_168 = arith.constant 0 : i32
    %dma_start3A_169 = tpu.memref_slice %arg4[%mul3A_160, %dma_start3A_168] : memref<819200x128xf32, #tpu.memory_space<hbm>> -> memref<256x128xf32, #tpu.memory_space<hbm>>
    %dma_start3A_170 = arith.constant 0 : i32
    %dma_start3A_171 = arith.constant 0 : i32
    %dma_start3A_172 = tpu.memref_slice %arg6[%dma_start3A_161, %dma_start3A_170, %dma_start3A_171] : memref<2x256x128xf32, #tpu.memory_space<vmem>> -> memref<1x256x128xf32, #tpu.memory_space<vmem>>
    %dma_start3A_173 = tpu.memref_squeeze %dma_start3A_172 : memref<1x256x128xf32, #tpu.memory_space<vmem>> -> memref<256x128xf32, #tpu.memory_space<vmem>>
    tpu.enqueue_dma source(%dma_start3A_173 : memref<256x128xf32, #tpu.memory_space<vmem>>) target(%dma_start3A_169 : memref<256x128xf32, #tpu.memory_space<hbm>>) target_semaphore(%arg10 : memref<!tpu.dma_semaphore, #tpu.memory_space<semaphore_mem>>)
    %dma_wait3A_174 = arith.constant 1 : i32
    %dma_wait3A_175 = arith.constant 0 : i32
    %dma_wait3A_176 = arith.constant 0 : i32
    %dma_wait3A_177 = tpu.memref_slice %arg6[%dma_wait3A_174, %dma_wait3A_175, %dma_wait3A_176] : memref<2x256x128xf32, #tpu.memory_space<vmem>> -> memref<1x256x128xf32, #tpu.memory_space<vmem>>
    %dma_wait3A_178 = tpu.memref_squeeze %dma_wait3A_177 : memref<1x256x128xf32, #tpu.memory_space<vmem>> -> memref<256x128xf32, #tpu.memory_space<vmem>>
    %dma_wait3A_179 = arith.constant 0 : i32
    %dma_wait3A_180 = arith.constant 0 : i32
    %dma_wait3A_181 = tpu.memref_slice %arg4[%dma_wait3A_179, %dma_wait3A_180] : memref<819200x128xf32, #tpu.memory_space<hbm>> -> memref<256x128xf32, #tpu.memory_space<hbm>>
    %dma_wait3A_182 = arith.constant 0 : i32
    %dma_wait3A_183 = arith.constant 0 : i32
    %dma_wait3A_184 = tpu.memref_slice %arg4[%dma_wait3A_182, %dma_wait3A_183] : memref<819200x128xf32, #tpu.memory_space<hbm>> -> memref<256x128xf32, #tpu.memory_space<hbm>>
    %dma_wait3A_185 = arith.constant 0 : i32
    %dma_wait3A_186 = arith.constant 0 : i32
    %dma_wait3A_187 = tpu.memref_slice %arg6[%dma_wait3A_174, %dma_wait3A_185, %dma_wait3A_186] : memref<2x256x128xf32, #tpu.memory_space<vmem>> -> memref<1x256x128xf32, #tpu.memory_space<vmem>>
    %dma_wait3A_188 = tpu.memref_squeeze %dma_wait3A_187 : memref<1x256x128xf32, #tpu.memory_space<vmem>> -> memref<256x128xf32, #tpu.memory_space<vmem>>
    tpu.wait_dma2 semaphore(%arg10 : memref<!tpu.dma_semaphore, #tpu.memory_space<semaphore_mem>>) src(%dma_wait3A_188 : memref<256x128xf32, #tpu.memory_space<vmem>>) dst(%dma_wait3A_184 : memref<256x128xf32, #tpu.memory_space<hbm>>)
    return
  }
}

</mosaic_0001>

<sc_bundles>
// kernel: kernel.3.cloned.1.call-start
scs
__scs_entry_jumppad:
0x0: {  	(pc) =	sbr.rel $0x88, $3  }
0x1: {  	(tag) =	ssettag $0x0;
	lr =	simm.s32 $0x1  }
0x2: {  	[smem:$0x3F9F] =	sst lr;
	_ =	strace $0xD0000000  }
0x3: {  	_ = 	snop  }
0x4: {  	_ = 	snop  }
0x5: {  	_ = 	snop  }
0x6: {  	_ = 	snop  }
0x7: {  	_ = 	snop  }
__scs_overlays_trampoline_lowered:
0x8: {  	[smem:$0x3FAE] =	sst s0  }
0x9: {  	[smem:$0x3FAF] =	sst s1  }
0xa: {  	[smem:$0x3FB0] =	sst s2  }
0xb: {  	[smem:$0x3FB1] =	sst s3  }
0xc: {  	[smem:$0x3FB2] =	sst s4  }
0xd: {  	[smem:$0x3FB3] =	sst s5  }
0xe: {  	[smem:$0x3FB4] =	sst s6  }
0xf: {  	[smem:$0x3FB5] =	sst s7  }
0x10: {  	[smem:$0x3FB6] =	sst s8  }
0x11: {  	[smem:$0x3FB7] =	sst s9;
	s0 =	simm.s32 @!p0 $0x0  }
0x12: {  	s1 =	sld [smem:$0x3F9D];
	s0 =	simm.s32 @p0 $0x1  }
0x13: {  	[smem:$0x3FB8] =	sst s0;
	s0 =	simm.s32 @!p1 $0x0  }
0x14: {  	s2 =	sld [smem:$0x3F9C];
	s0 =	simm.s32 @p1 $0x1  }
0x15: {  	[smem:$0x3FB9] =	sst s0;
	s0 =	simm.s32 @!p2 $0x0  }
0x16: {  	s3 =	sld [smem:$0x3FDB];
	s0 =	simm.s32 @p2 $0x1  }
0x17: {  	s4 =	simm.s32 $0x1BF5;
	[smem:$0x3FBB] =	sst s0  }
0x18: {  	s0 =	sld [smem:$0x3F9E];
	_ =	swait.ge [sflag:s4], $0x0  }
0x19: {  	s7 =	sld [smem:$0x3F9F]  }
0x1a: {  	s8 =	sadd.s32 $0xFFFFE003, lr  }
0x1b: {  	s9 =	sadd.s32 $0xFFFFFEF7, lr;
	s5 =	simm.s32 $0xFFFFFFFF;
	p2 =	slt.u32 s8, $0xFFFFF086  }
0x1c: {  	p1 =	slt.u32 s9, $0xF7A;
	s5 =	simm.s32 @!p2 $0x0  }
0x1d: {  	s5 =	simm.s32 @p1 $0x1;
	p0 =	seq.s32 s7, s2  }
0x1e: {  	s7 =	smul.u32 @!p0 $0xF7A, s2;
	p2 =	seq.s32 @!p0 s5, $0x0  }
0x1f: {  	s9 =	smul.u32 $0xF7A, s1;
	s8 =	simm.s32 @!p0 $0x1BF5;
	p2 =	por !p2, p0  }
0x20: {  	[sflag:s8] =	ssyncset.s32 @!p0 $0xFFFFF086;
	s6 =	sadd.s32 @!p0 s3, s7;
	s7 =	simm.s32 @!p0 $0x108  }
0x21: {  	s3 =	sadd.s32 s3, s9;
	s6 =	sadd.s32 @!p0 $0x88, s6;
	s7 =	simm.s32 @p2 $0x1082  }
0x22: {  	[simem:s7], [sflag:s8] =	dma.local @!p0 [hbm:s6], $0xF7A  }
0x23: {  	s9 =	sor.u32 $0xD0000000, s2;
	s6 =	simm.s32 $0x108;
	_ =	swait.ge @!p0 [sflag:s8], $0x0  }
0x24: {  	s3 =	sadd.s32 $0x88, s3;
	s6 =	simm.s32 @!p1 $0x1082;
	[sflag:s4] =	ssyncset.s32 $0xFFFFF086  }
0x25: {  	[simem:s6], [sflag:s4] =	dma.local [hbm:s3], $0xF7A  }
0x26: {  	[smem:$0x3F9F] =	sst s1;
	(tag) =	ssettag s2;
	_ =	strace s9  }
0x27: {  	s1 =	sld [smem:$0x3FAF]  }
0x28: {  	s2 =	sld [smem:$0x3FB0]  }
0x29: {  	s4 =	sld [smem:$0x3FB2]  }
0x2a: {  	p0 =	seq.s32 s5, $0x0;
	s5 =	sld [smem:$0x3FB3]  }
0x2b: {  	s6 =	sld [smem:$0x3FB4]  }
0x2c: {  	s7 =	sld [smem:$0x3FB5]  }
0x2d: {  	s3 =	simm.s32 $0x108;
	s8 =	sld [smem:$0x3FB6]  }
0x2e: {  	s3 =	simm.s32 @!p0 $0x1082;
	s9 =	sld [smem:$0x3FB7]  }
0x2f: {  	lr =	sadd.s32 s0, s3;
	s0 =	sld [smem:$0x3FAE]  }
0x30: {  	s3 =	sld [smem:$0x3FB1]  }
0x31: {  	[smem:$0x3FBA] =	sst s10  }
0x32: {  	s10 =	sld [smem:$0x3FB8];
	_ =	sdelay $0x3  }
0x33: {  	p0 =	seq.s32 s10, $0x1;
	s10 =	sld [smem:$0x3FBA];
	_ =	sdelay $0x3  }
0x34: {  	[smem:$0x3FBA] =	sst s10  }
0x35: {  	s10 =	sld [smem:$0x3FB9];
	_ =	sdelay $0x3  }
0x36: {  	p1 =	seq.s32 s10, $0x1;
	s10 =	sld [smem:$0x3FBA];
	_ =	sdelay $0x3  }
0x37: {  	[smem:$0x3FBA] =	sst s10  }
0x38: {  	s10 =	sld [smem:$0x3FBB]  }
0x39: {  	_ = 	snop;
	(pc) =	sbr.ind lr, $3  }
0x3a: {  	_ = 	snop  }
0x3b: {  	_ = 	snop  }
0x3c: {  	p2 =	seq.s32 s10, $0x1;
	s10 =	sld [smem:$0x3FBA]  }
0x3d: {  	_ =	shalt  }
0x3e: {  	_ =	shalt  }
0x3f: {  	_ =	shalt  }
0x40: {  	_ =	shalt  }
0x41: {  	_ =	shalt  }
0x42: {  	_ =	shalt  }
0x43: {  	_ =	shalt  }
0x44: {  	_ =	shalt  }
0x45: {  	_ =	shalt  }
0x46: {  	_ =	shalt  }
0x47: {  	_ =	shalt  }
0x48: {  	_ =	shalt  }
0x49: {  	_ =	shalt  }
0x4a: {  	_ =	shalt  }
0x4b: {  	_ =	shalt  }
0x4c: {  	_ =	shalt  }
0x4d: {  	_ =	shalt  }
0x4e: {  	_ =	shalt  }
0x4f: {  	_ =	shalt  }
0x50: {  	_ =	shalt  }
0x51: {  	_ =	shalt  }
0x52: {  	_ =	shalt  }
0x53: {  	_ =	shalt  }
0x54: {  	_ =	shalt  }
0x55: {  	_ =	shalt  }
0x56: {  	_ =	shalt  }
0x57: {  	_ =	shalt  }
0x58: {  	_ =	shalt  }
0x59: {  	_ =	shalt  }
0x5a: {  	_ =	shalt  }
0x5b: {  	_ =	shalt  }
0x5c: {  	_ =	shalt  }
0x5d: {  	_ =	shalt  }
0x5e: {  	_ =	shalt  }
0x5f: {  	_ =	shalt  }
0x60: {  	_ =	shalt  }
0x61: {  	_ =	shalt  }
0x62: {  	_ =	shalt  }
0x63: {  	_ =	shalt  }
0x64: {  	_ =	shalt  }
0x65: {  	_ =	shalt  }
0x66: {  	_ =	shalt  }
0x67: {  	_ =	shalt  }
0x68: {  	_ =	shalt  }
0x69: {  	_ =	shalt  }
0x6a: {  	_ =	shalt  }
0x6b: {  	_ =	shalt  }
0x6c: {  	_ =	shalt  }
0x6d: {  	_ =	shalt  }
0x6e: {  	_ =	shalt  }
0x6f: {  	_ =	shalt  }
0x70: {  	_ =	shalt  }
0x71: {  	_ =	shalt  }
0x72: {  	_ =	shalt  }
0x73: {  	_ =	shalt  }
0x74: {  	_ =	shalt  }
0x75: {  	_ =	shalt  }
0x76: {  	_ =	shalt  }
0x77: {  	_ =	shalt  }
0x78: {  	_ =	shalt  }
0x79: {  	_ =	shalt  }
0x7a: {  	_ =	shalt  }
0x7b: {  	_ =	shalt  }
0x7c: {  	_ =	shalt  }
0x7d: {  	_ =	shalt  }
0x7e: {  	_ =	shalt  }
0x7f: {  	_ =	shalt  }
0x80: {  	_ =	shalt  }
0x81: {  	_ =	shalt  }
0x82: {  	_ =	shalt  }
0x83: {  	_ =	shalt  }
0x84: {  	_ =	shalt  }
0x85: {  	_ =	shalt  }
0x86: {  	_ =	shalt  }
0x87: {  	_ =	shalt  }
.Lfunc_end0:
.L_simem_size_0:
called_computation_lowered:
.L_overlay_start_0:
0x88: {  	s2 =	sld [smem:$0x3FD9]  }
0x89: {  	s3 =	sld [smem:$0x3FFE];
	_ =	sdelay $0x1  }
0x8a: {  	s1 =	srdreg.scid  }
0x8b: {  	s0 =	sand.u32 $0x1, s1  }
0x8c: {  	s17 =	sshll.u32 s0, $0xA;
	s2 =	sadd.s32 s3, s2  }
0x8d: {  	s2 =	sadd.s32 s2, s17  }
0x8e: {  	[smem:$0x3FC6] =	sst s2  }
0x8f: {  	_ = 	snop  }
0x90: {  	s2 =	sld [smem:$0x3FC8]  }
0x91: {  	s18 =	sld [smem:$0x3FD0];
	(tm) =	ssettm $0x1  }
0x92: {  	s4 =	sld [smem:$0x3FFB];
	_ =	sdelay $0x3  }
0x93: {  	_ =	strace s4  }
0x94: {  	s4 =	sld [smem:$0x3FFC];
	_ =	sdelay $0x3  }
0x95: {  	_ =	strace s4  }
0x96: {  	s4 =	sld [smem:$0x3FFD];
	_ =	sdelay $0x3  }
0x97: {  	_ =	strace s4  }
0x98: {  	_ =	strace $0x8FFFFFFF  }
0x99: {  	s19 =	sld [smem:$0x3FDB];
	_ =	sdelay $0x1  }
0x9a: {  	s5 =	simm.s32 $_scs_section_size  }
0x9b: {  	s6 =	simm.s32 $_size__tile_overlayer_lowered;
	s7 =	simm.s32 $_tile_overlayer_lowered  }
0x9c: {  	s22 =	simm.s32 $0x1BFF;
	s21 =	sshll.u32 s7, $0x1;
	s4 =	sadd.s32 s5, s19  }
0x9d: {  	s8 =	simm.s32 $0x0;
	s20 =	sshll.u32 s6, $0x1;
	s6 =	sadd.s32 s21, s4  }
0x9e: {  	[timem:s8], [sflag:s22] =	dma.local [hbm:s6], s20  }
0x9f: {  	_ =	swait.ge [sflag:s22], s20  }
0xa0: {  	s5 =	ssub.s32 $0x0, s20;
	[sflag:s22] =	ssyncset.done $0x0  }
0xa1: {  	[sflag:s22] =	ssyncadd.s32 s5;
	_ =	sdelay $0x1  }
0xa2: {  	s23 =	simm.s32 $0x1B8B  }
0xa3: {  	_ =	swait.ge [sflag:s23], $0x1  }
0xa4: {  	[sflag:s23] =	ssyncset.done $0x0  }
0xa5: {  	s25 =	simm.s32 $0x1B8E;
	s24 =	sld [smem:$0x3FFE];
	[sflag:s23] =	ssyncadd.s32 $0xFFFFFFFF  }
0xa6: {  	s26 =	simm.s32 $execute0_lowered;
	[smem:$0x3FD2] =	sst s25  }
0xa7: {  	s6 =	sshll.u32 s26, $0x1;
	_ =	strace $0x80000046;
	[dreg:$0x1] =	wrdreg $0xFFFFFFFF  }
0xa8: {  	s28 =	simm.s32 $_size_execute0_lowered;
	s4 =	sadd.s32 s4, s6;
	[dreg:$0x0] =	wrdreg $0x0  }
0xa9: {  	s6 =	sshll.u32 s28, $0x1;
	[dreg:$0x2] =	wrdreg s4  }
0xaa: {  	[dreg:$0x3] =	wrdreg s6  }
0xab: {  	[dreg:$0x4] =	wrdreg $0xC0  }
0xac: {  	_ =	task [dreg:s8], $0x5FFFF  }
0xad: {  	[dreg:$0x1] =	wrdreg $0xFFFFFFFF  }
0xae: {  	[dreg:$0x0] =	wrdreg $0x60  }
0xaf: {  	[dreg:$0x2] =	wrdreg s24  }
0xb0: {  	[dreg:$0x3] =	wrdreg s2  }
0xb1: {  	[dreg:$0x4] =	wrdreg s18  }
0xb2: {  	[dreg:$0x5] =	wrdreg $0x9  }
0xb3: {  	_ =	task.clear_ibuf [dreg:s8], $0x6FFFF;
	_ =	strace $0x90000046  }
0xb4: {  	s29 =	simm.s32 $0x9;
	_ =	strace $0x80000048  }
0xb5: {  	_ =	swait.ge [sflag:s29], $0x1  }
0xb6: {  	[sflag:s29] =	ssyncadd.s32 $0xFFFFFFFF  }
0xb7: {  	_ =	strace $0x90000048  }
0xb8: {  	_ =	sfence  }
0xb9: {  	s30 =	sld [smem:$0x0];
	_ =	sdelay $0x2  }
0xba: {  	s31 =	sshll.u32 s1, $0xD;
	s1 =	sshrl.u32 s1, $0x2  }
0xbb: {  	s3 =	sand.u32 $0x4000, s31;
	s1 =	sadd.s32 s1, s30  }
0xbc: {  	s0 =	sor.u32 s3, s0;
	s1 =	sshll.u32 s1, $0x11  }
0xbd: {  	s0 =	sor.u32 s1, s0  }
0xbe: {  	s0 =	sadd.s32 $0x8F2B, s0  }
0xbf: {  	[sflag:s0] =	ssyncadd.remote.s32 $0x1  }
0xc0: {  	_ =	sfence.sel $0xFFFF  }
0xc1: {  	[dreg:$0x0] =	wrdreg $0xFFFFFFFF;
	(pc) =	sbr.abs _section_cstart, $3  }
0xc2: {  	[dreg:$0x1] =	wrdreg $0xFFFFFFFF  }
0xc3: {  	_ =	task.clear_ibuf [dreg:s8], $0x2FFFF;
	_ =	strace $0x9FFFFFFF  }
0xc4: {  	(tm) =	ssettm $0x7FFFFFFF  }
0xc5: {  	_ =	shalt  }
tec
execute0_lowered:
.L_overlay_start_1:
0x0: {  	(tag) =	ssettag $0x1  }
0x1: {  	s4 =	rddreg [dreg:$0x0]  }
0x2: {  	s1 =	srdreg.scid;
	s2 =	rddreg [dreg:$0x1]  }
0x3: {  	s0 =	stileid.u32;
	s8 =	rddreg [dreg:$0x2];
	s3 =	simm.s32 $0x0  }
0x4: {  	s13 =	simm.s32 $0xA400;
	s14 =	simm.s32 $0x1;
	s15 =	simm.s32 $0x100  }
0x5: {  	s16 =	simm.s32 $0xE400;
	s17 =	simm.s32 $0x180;
	s18 =	simm.s32 $0x12400  }
0x6: {  	s19 =	simm.s32 $0x2;
	s20 =	simm.s32 $0x3;
	s21 =	simm.s32 $0x4  }
0x7: {  	s5 =	sand.u32 $0x1, s1;
	s26 =	sshll.u32 s0, $0x1;
	s11 =	smul.u32 $0x190, s0  }
0x8: {  	s6 =	sor.u32 s5, s26;
	s10 =	ssub.s32 $0x2, s5;
	s5 =	smul.u32 $0xC8, s5  }
0x9: {  	s22 =	simm.s32 $0x0;
	s1 =	rddreg [dreg:$0x3];
	s7 =	smul.u32 $0xC80, s6  }
0xa: {  	[smem:$0x7FF] =	sst s3;
	s9 =	smul.u32 $0x320000, s6;
	s12 =	sshrl.u32 s10, $0x1  }
0xb: {  	_ =	strace $0x80000047;
	s6 =	smul.u32 $0x64000, s6;
	s28 =	ssub.s32 s10, s12  }
0xc: {  	s29 =	sadd.s32 s5, s11;
	s10 =	simm.s32 $0x5;
	s11 =	simm.s32 $0x80  }
0xd: {  	s12 =	simm.s32 $0x6400;
	s4 =	sadd.s32 s7, s4;
	s9 =	sshrl.u32 s9, $0x3  }
0xe: {  	s5 =	sadd.s32 s8, s6;
	s31 =	sshll.u32 s29, $0xB;
	s7 =	smax.u32 s28, $0x1  }
0xf: {  	s4 =	sadd.s32 $0x400, s4;
	s30 =	sadd.s32 s8, s9;
	s9 =	sadd.s32 s31, s8  }
0x10: {  	s6 =	sadd.s32 $0x63000, s30;
	s8 =	sadd.s32 $0x1000, s9;
	s9 =	sadd.s32 $0x2000, s9  }
.LBB2_1:
0x11: {  	[tilespmem:s3], [sflag:$0x5] =	stream.linear.gather [hbm4b:s4+s3], $0x6400, $0x38;
	[tilespmem:$0x16400] =	vst v63  }
0x12: {  	_ =	swait.ge [sflag:s10], $0x6400  }
0x13: {  	[sflag:s10] =	ssyncset.done $0x0  }
0x14: {  	[sflag:s10] =	ssyncadd.s32 $0xFFFF9C00  }
0x15: {  	[tilespmem:s12], [sflag:$0x1] =	stream.indirect.gather [hbm4b:s2+s11], $0x80, s3, s11, $0xb8;
	[tilespmem:$0x16400] =	vst v63  }
0x16: {  	_ = 	snop  }
0x17: {  	[tilespmem:s13], [sflag:$0x1] =	stream.indirect.gather [hbm4b:s2+s11], $0x80, s11, s11, $0xb8;
	[tilespmem:$0x16400] =	vst v63  }
0x18: {  	_ =	swait.ge [sflag:s14], $0x4000  }
0x19: {  	[sflag:s14] =	ssyncset.done $0x0  }
0x1a: {  	[sflag:s14] =	ssyncadd.s32 $0xFFFFC000  }
0x1b: {  	_ =	swait.ge [sflag:s14], $0x4000  }
0x1c: {  	[sflag:s14] =	ssyncset.done $0x0  }
0x1d: {  	[sflag:s14] =	ssyncadd.s32 $0xFFFFC000  }
0x1e: {  	[tilespmem:s16], [sflag:$0x2] =	stream.indirect.gather [hbm4b:s2+s11], $0x80, s15, s11, $0xb8;
	[tilespmem:$0x16400] =	vst v63  }
0x1f: {  	_ = 	snop  }
0x20: {  	[tilespmem:s18], [sflag:$0x2] =	stream.indirect.gather [hbm4b:s2+s11], $0x80, s17, s11, $0xb8;
	[tilespmem:$0x16400] =	vst v63  }
0x21: {  	_ = 	snop  }
0x22: {  	[hbm4b:s5+s3] =	stream.linear.scatter [tilespmem:s12], [sflag:$0x3], $0x8000, $0x38;
	[tilespmem:$0x16400] =	vst v63  }
0x23: {  	_ =	swait.ge [sflag:s19], $0x4000  }
0x24: {  	[sflag:s19] =	ssyncset.done $0x0  }
0x25: {  	[sflag:s19] =	ssyncadd.s32 $0xFFFFC000  }
0x26: {  	_ =	swait.ge [sflag:s19], $0x4000  }
0x27: {  	[sflag:s19] =	ssyncset.done $0x0  }
0x28: {  	[sflag:s19] =	ssyncadd.s32 $0xFFFFC000  }
0x29: {  	[hbm4b:s8+s3] =	stream.linear.scatter [tilespmem:s16], [sflag:$0x4], $0x8000, $0x38;
	[tilespmem:$0x16400] =	vst v63  }
0x2a: {  	_ =	swait.ge [sflag:s20], $0x8000  }
0x2b: {  	[sflag:s20] =	ssyncset.done $0x0  }
0x2c: {  	s23 =	simm.s32 $0x200;
	[sflag:s20] =	ssyncadd.s32 $0xFFFF8000  }
0x2d: {  	[tilespmem:s12], [sflag:$0x1] =	stream.indirect.gather [hbm4b:s2+s11], $0x80, s23, s11, $0xb8;
	[tilespmem:$0x16400] =	vst v63  }
0x2e: {  	s30 =	simm.s32 $0x280  }
0x2f: {  	[tilespmem:s13], [sflag:$0x1] =	stream.indirect.gather [hbm4b:s2+s11], $0x80, s30, s11, $0xb8;
	[tilespmem:$0x16400] =	vst v63  }
0x30: {  	_ =	swait.ge [sflag:s14], $0x4000  }
0x31: {  	[sflag:s14] =	ssyncset.done $0x0  }
0x32: {  	[sflag:s14] =	ssyncadd.s32 $0xFFFFC000  }
0x33: {  	_ =	swait.ge [sflag:s14], $0x4000  }
0x34: {  	[sflag:s14] =	ssyncset.done $0x0  }
0x35: {  	[sflag:s14] =	ssyncadd.s32 $0xFFFFC000  }
0x36: {  	[hbm4b:s9+s3] =	stream.linear.scatter [tilespmem:s12], [sflag:$0x3], $0x8000, $0x38;
	[tilespmem:$0x16400] =	vst v63  }
0x37: {  	s31 =	simm.s32 $0x300;
	_ =	swait.ge [sflag:s21], $0x8000  }
0x38: {  	s26 =	simm.s32 $0x380;
	s24 =	sadd.s32 $0x2000, s8;
	[sflag:s21] =	ssyncset.done $0x0  }
0x39: {  	s25 =	sadd.s32 $0x2000, s9;
	s23 =	simm.s32 $0x800;
	[sflag:s21] =	ssyncadd.s32 $0xFFFF8000  }
0x3a: {  	[tilespmem:s16], [sflag:$0x2] =	stream.indirect.gather [hbm4b:s2+s11], $0x80, s31, s11, $0xb8;
	[tilespmem:$0x16400] =	vst v63  }
.LBB2_2:
0x3b: {  	[tilespmem:s18], [sflag:$0x2] =	stream.indirect.gather [hbm4b:s2+s11], $0x80, s26, s11, $0xb8;
	[tilespmem:$0x16400] =	vst v63  }
0x3c: {  	s26 =	smov.u32 s23  }
0x3d: {  	p0 =	sne.s32 s23, $0x18000;
	s23 =	sadd.s32 $0x800, s23;
	_ =	swait.ge [sflag:s19], $0x4000  }
0x3e: {  	[sflag:s19] =	ssyncset.done $0x0  }
0x3f: {  	[sflag:s19] =	ssyncadd.s32 $0xFFFFC000  }
0x40: {  	_ =	swait.ge [sflag:s19], $0x4000  }
0x41: {  	[sflag:s19] =	ssyncset.done $0x0  }
0x42: {  	[sflag:s19] =	ssyncadd.s32 $0xFFFFC000  }
0x43: {  	[hbm4b:s24+s3] =	stream.linear.scatter [tilespmem:s16], [sflag:$0x4], $0x8000, $0x38;
	[tilespmem:$0x16400] =	vst v63  }
0x44: {  	_ =	swait.ge [sflag:s20], $0x8000  }
0x45: {  	s26 =	sshra.s32 s26, $0x2;
	[sflag:s20] =	ssyncset.done $0x0  }
0x46: {  	s28 =	sadd.s32 $0x200, s26;
	[sflag:s20] =	ssyncadd.s32 $0xFFFF8000  }
0x47: {  	[tilespmem:s12], [sflag:$0x1] =	stream.indirect.gather [hbm4b:s2+s11], $0x80, s28, s11, $0xb8;
	[tilespmem:$0x16400] =	vst v63  }
0x48: {  	s28 =	sadd.s32 $0x280, s26  }
0x49: {  	[tilespmem:s13], [sflag:$0x1] =	stream.indirect.gather [hbm4b:s2+s11], $0x80, s28, s11, $0xb8;
	[tilespmem:$0x16400] =	vst v63  }
0x4a: {  	_ =	swait.ge [sflag:s14], $0x4000  }
0x4b: {  	[sflag:s14] =	ssyncset.done $0x0  }
0x4c: {  	[sflag:s14] =	ssyncadd.s32 $0xFFFFC000  }
0x4d: {  	_ =	swait.ge [sflag:s14], $0x4000  }
0x4e: {  	[sflag:s14] =	ssyncset.done $0x0  }
0x4f: {  	[sflag:s14] =	ssyncadd.s32 $0xFFFFC000  }
0x50: {  	[hbm4b:s25+s3] =	stream.linear.scatter [tilespmem:s12], [sflag:$0x3], $0x8000, $0x38;
	[tilespmem:$0x16400] =	vst v63  }
.Ltmp0:
0x51: {  	_ =	swait.ge [sflag:s21], $0x8000;
	(pc) =	sbr.rel @p0 .LBB2_2-.Ltmp0, $4  }
0x52: {  	[sflag:s21] =	ssyncset.done $0x0  }
0x53: {  	s28 =	sadd.s32 $0x300, s26;
	[sflag:s21] =	ssyncadd.s32 $0xFFFF8000  }
0x54: {  	[tilespmem:s16], [sflag:$0x2] =	stream.indirect.gather [hbm4b:s2+s11], $0x80, s28, s11, $0xb8;
	[tilespmem:$0x16400] =	vst v63  }
0x55: {  	s24 =	sadd.s32 $0x2000, s24;
	s26 =	sadd.s32 $0x380, s26;
	s25 =	sadd.s32 $0x2000, s25  }
0x56: {  	[tilespmem:s18], [sflag:$0x2] =	stream.indirect.gather [hbm4b:s2+s11], $0x80, s26, s11, $0xb8;
	[tilespmem:$0x16400] =	vst v63  }
0x57: {  	_ =	swait.ge [sflag:s19], $0x4000  }
0x58: {  	[sflag:s19] =	ssyncset.done $0x0  }
0x59: {  	[sflag:s19] =	ssyncadd.s32 $0xFFFFC000  }
0x5a: {  	_ =	swait.ge [sflag:s19], $0x4000  }
0x5b: {  	[sflag:s19] =	ssyncset.done $0x0  }
0x5c: {  	[sflag:s19] =	ssyncadd.s32 $0xFFFFC000  }
0x5d: {  	s22 =	sadd.s32 $0x1, s22;
	_ =	swait.ge [sflag:s20], $0x8000  }
0x5e: {  	p0 =	sne.s32 s22, s7;
	[sflag:s20] =	ssyncset.done $0x0  }
.Ltmp1:
0x5f: {  	[sflag:s20] =	ssyncadd.s32 $0xFFFF8000;
	(pc) =	sbr.rel @p0 .LBB2_1-.Ltmp1, $4  }
0x60: {  	[hbm4b:s6+s3] =	stream.linear.scatter [tilespmem:s16], [sflag:$0x4], $0x8000, $0x38;
	[tilespmem:$0x16400] =	vst v63  }
0x61: {  	_ =	swait.ge [sflag:s21], $0x8000  }
0x62: {  	[sflag:s21] =	ssyncset.done $0x0  }
0x63: {  	[sflag:s21] =	ssyncadd.s32 $0xFFFF8000  }
0x64: {  	_ =	sfence.sel $0x180000  }
0x65: {  	[bflag:$0x0] =	sbarrier.arrive $0xFFFF  }
0x66: {  	p0 =	sne.s32 s0, $0x0;
	_ =	strace $0x90000047  }
0x67: {  	s0 =	sadd.s32 @!p0 $0x100000, s1;
	[bflag:$0x2] =	sbarrier.arrive $0xFFFF  }
0x68: {  	[sflag:s0] =	ssyncadd.tile.s32 @!p0 $0x1;
	_ =	shalt  }
.Lfunc_end2:
_tile_overlayer_lowered:
.L_overlay_start_2:
0x69: {  	(tag) =	ssettag $0x2  }
0x6a: {  	s0 =	rddreg [dreg:$0x0];
	s2 =	stileid.u32  }
0x6b: {  	s1 =	rddreg [dreg:$0x1];
	p0 =	sne.s32 s2, $0x0  }
0x6c: {  	s3 =	rddreg [dreg:$0x2];
	[bflag:$0x3] =	sbarrier.arrive $0xFFFF;
	s2 =	simm.s32 @!p0 $0x1C05  }
0x6d: {  	[timem:s3], [sflag:s2] =	dma.local @!p0 [hbm:s0], s1  }
0x6e: {  	s0 =	simm.s32 @!p0 $0x5  }
0x6f: {  	_ =	swait.ge @!p0 [sflag:s0], s1  }
0x70: {  	s1 =	ssub.s32 @!p0 $0x0, s1;
	[sflag:s0] =	ssyncset.done @!p0 $0x0  }
0x71: {  	[sflag:s0] =	ssyncadd.s32 @!p0 s1  }
0x72: {  	[bflag:$0x3] =	sbarrier.arrive $0xFFFF  }
0x73: {  	_ =	shalt  }

</sc_bundles>
